<compile_context>
chip_gen: v7x
topology: tpu7x:2x2x1
jax: 0.10.2.dev20260603
libtpu: 0.0.44.dev20260713+nightly
codegen_flags: <defaults>
</compile_context>

<pallas_src>
import functools

import jax
import jax.numpy as jnp
from jax import lax
from jax.experimental import pallas as pl
from jax.experimental.pallas import tpu as pltpu
from jax.experimental.pallas import tpu_sc as plsc

MAX_GT = 4096
HALF = MAX_GT // 2
CHUNK = HALF + 16
BUF = CHUNK + 32


def _sc_body(n_lim, w_hbm, counts_hbm, out_hbm, counts_v, buf_v, out_v, sem):
    wid = lax.axis_index("s") * 2 + lax.axis_index("c")
    row = wid // 2
    half = wid % 2

    cdma = pltpu.async_copy(counts_hbm, counts_v, sem)

    neg1 = jnp.full((16,), -1.0, jnp.float32)

    @plsc.parallel_loop(0, HALF, step=16, unroll=8)
    def _fill(i):
        out_v[pl.ds(i, 16)] = neg1

    cdma.wait()
    c = counts_v[...]
    start_i = jnp.int32(0)
    count_i = jnp.int32(0)
    for k in range(16):
        ck = c[k]
        start_i = start_i + jnp.where(k < row, ck, 0)
        count_i = count_i + jnp.where(k == row, ck, 0)

    pbase = half * HALF
    src = start_i + pbase
    w_lo = jnp.minimum((src >> 3) << 3, n_lim)
    w_lo = pl.multiple_of(w_lo, 8)
    delta = src - w_lo
    pltpu.sync_copy(w_hbm.at[pl.ds(w_lo, CHUNK)], buf_v.at[pl.ds(0, CHUNK)])

    rem = jnp.clip(count_i - pbase, 0, HALF)
    ngroups = (rem + 15) >> 4

    lane = lax.iota(jnp.int32, 16)
    vd = delta + lane
    vp = pbase + lane

    @plsc.parallel_loop(0, ngroups * 16, step=16, unroll=8)
    def _copy(s):
        val = plsc.load_gather(buf_v, [s + vd])
        out_v[pl.ds(s, 16)] = jnp.where(s + vp < count_i, val, neg1)

    pltpu.sync_copy(out_v, out_hbm.at[pl.ds(wid * HALF, HALF)])


def kernel(gt_boxes_select_weight, gt_boxes_batch_ids, batch_num_gt_boxes):
    del gt_boxes_batch_ids
    w = gt_boxes_select_weight
    n_total = w.shape[0]
    b = batch_num_gt_boxes.shape[0]
    counts = batch_num_gt_boxes.reshape(b)

    n_lim = ((n_total - CHUNK) // 8) * 8

    mesh = plsc.VectorSubcoreMesh(core_axis_name="c", subcore_axis_name="s")
    out = pl.kernel(
        functools.partial(_sc_body, n_lim),
        mesh=mesh,
        out_type=jax.ShapeDtypeStruct((b * MAX_GT,), jnp.float32),
        compiler_params=pltpu.CompilerParams(needs_layout_passes=False),
        scratch_types=[
            pltpu.VMEM((16,), jnp.int32),
            pltpu.VMEM((BUF,), jnp.float32),
            pltpu.VMEM((HALF,), jnp.float32),
            pltpu.SemaphoreType.DMA,
        ],
    )(w, counts)
    return out.reshape(b, MAX_GT)

# --- scband reference (transcript-rebuilt; emitter-appended) ---
"""Pipeline reference for scband-meta-select-weight-61409442398237 (READ-ONLY COPY).

The authoritative reference and input builder live on the scoring server;
editing this copy changes nothing except your own understanding.
"""

import jax, jax.numpy as jnp
import numpy as np

MAX_GT_BOXES = 4096
BATCH = 16


def _make_counts():
    # deterministic ragged per-batch gt-box counts, all < MAX_GT_BOXES
    return np.array([512 + (i * 211) % 3584 for i in range(BATCH)], dtype=np.int32)


def setup_inputs(seed: int = 0) -> dict:
    key = jax.random.key(seed)
    counts = _make_counts()
    n_total = int(counts.sum())  # 33512
    gt_boxes_batch_ids = jnp.asarray(np.repeat(np.arange(BATCH, dtype=np.int64), counts))
    gt_boxes_select_weight = jax.random.uniform(key, (n_total,), dtype=jnp.float32)
    batch_num_gt_boxes = jnp.asarray(counts.reshape(BATCH, 1))
    return {
        "gt_boxes_select_weight": gt_boxes_select_weight,
        "gt_boxes_batch_ids": gt_boxes_batch_ids,
        "batch_num_gt_boxes": batch_num_gt_boxes,
    }


def reference(gt_boxes_select_weight, gt_boxes_batch_ids, batch_num_gt_boxes):
    # Semantics of MetaSelectWeight.forward:
    # for each batch item i: take the ragged slice of weights where batch_id == i,
    # pad at the end with -1 up to max_gt_boxes, then stack -> [B, max_gt_boxes].
    b = batch_num_gt_boxes.shape[0]
    counts = batch_num_gt_boxes[:, 0]
    starts = jnp.concatenate(
        [jnp.zeros((1,), dtype=counts.dtype), jnp.cumsum(counts)[:-1]]
    )
    n_total = gt_boxes_select_weight.shape[0]
    # position of each element within its batch segment (batch_ids are sorted)
    pos = jnp.arange(n_total, dtype=jnp.int32) - starts[gt_boxes_batch_ids].astype(jnp.int32)
    out = jnp.full((b, MAX_GT_BOXES), -1.0, dtype=gt_boxes_select_weight.dtype)
    out = out.at[gt_boxes_batch_ids, pos].set(gt_boxes_select_weight)
    return out

if __name__ == "__main__":
    import jax
    _d = setup_inputs()
    print(jax.jit(kernel)(*tuple(_d.values())))

</pallas_src>

<mosaic_0001>
#map = affine_map<(d0, d1) -> (0)>
module attributes {stable_mosaic.version = 14 : i64} {
  func.func @_sc_body(%arg0: i32, %arg1: i32, %arg2: memref<33512xf32, #tpu.memory_space<hbm>>, %arg3: memref<16xi32, #tpu.memory_space<hbm>>, %arg4: memref<65536xf32, #tpu.memory_space<hbm>>, %arg5: memref<16xi32, #tpu.memory_space<vmem>>, %arg6: memref<2096xf32, #tpu.memory_space<vmem>>, %arg7: memref<2048xf32, #tpu.memory_space<vmem>>, %arg8: memref<!tpu.dma_semaphore, #tpu.memory_space<semaphore_mem>>) attributes {dimension_semantics = [#tpu.dimension_semantics<core_parallel>, #tpu.dimension_semantics<subcore_parallel>], iteration_bounds = array<i64: 2, 16>, scalar_prefetch = 0 : i64, scratch_operands = 4 : i64, tpu.core_type = #tpu.core_type<sc_vector_subcore>, window_params = [{transform_indices = #map}, {transform_indices = #map}, {transform_indices = #map}]} {
    %mul3A = arith.constant 2 : i32
    %mul3A_0 = arith.muli %arg1, %mul3A : i32
    %add3A = arith.addi %mul3A_0, %arg0 : i32
    %jit3A = arith.constant 2 : i32
    %div3A = arith.divsi %add3A, %jit3A : i32
    %sign3A = arith.constant 0 : i32
    %sign3A_1 = arith.cmpi sgt, %add3A, %sign3A : i32
    %sign3A_2 = arith.extui %sign3A_1 : i1 to i32
    %sign3A_3 = arith.constant 0 : i32
    %sign3A_4 = arith.cmpi slt, %add3A, %sign3A_3 : i32
    %sign3A_5 = arith.extui %sign3A_4 : i1 to i32
    %sign3A_6 = arith.subi %sign3A_2, %sign3A_5 : i32
    %sign3A_7 = arith.constant 0 : i32
    %sign3A_8 = arith.cmpi sgt, %jit3A, %sign3A_7 : i32
    %sign3A_9 = arith.extui %sign3A_8 : i1 to i32
    %sign3A_10 = arith.constant 0 : i32
    %sign3A_11 = arith.cmpi slt, %jit3A, %sign3A_10 : i32
    %sign3A_12 = arith.extui %sign3A_11 : i1 to i32
    %sign3A_13 = arith.subi %sign3A_9, %sign3A_12 : i32
    %ne3A = arith.cmpi ne, %sign3A_6, %sign3A_13 : i32
    %rem3A = arith.remsi %add3A, %jit3A : i32
    %ne3A_14 = arith.constant 0 : i32
    %ne3A_15 = arith.cmpi ne, %rem3A, %ne3A_14 : i32
    %and3A = arith.andi %ne3A, %ne3A_15 : i1
    %sub3A = arith.constant 1 : i32
    %sub3A_16 = arith.subi %div3A, %sub3A : i32
    %select_n3A = arith.select %and3A, %sub3A_16, %div3A : i32
    %jit3A_17 = arith.constant 2 : i32
    %eq3A = arith.constant 0 : i32
    %eq3A_18 = arith.cmpi eq, %jit3A_17, %eq3A : i32
    %jit3A_19 = arith.constant 1 : i32
    %select_n3A_20 = arith.select %eq3A_18, %jit3A_19, %jit3A_17 : i32
    %rem3A_21 = arith.remsi %add3A, %select_n3A_20 : i32
    %ne3A_22 = arith.constant 0 : i32
    %ne3A_23 = arith.cmpi ne, %rem3A_21, %ne3A_22 : i32
    %lt3A = arith.constant 0 : i32
    %lt3A_24 = arith.cmpi slt, %rem3A_21, %lt3A : i32
    %lt3A_25 = arith.constant 0 : i32
    %lt3A_26 = arith.cmpi slt, %select_n3A_20, %lt3A_25 : i32
    %ne3A_27 = arith.xori %lt3A_24, %lt3A_26 : i1
    %and3A_28 = arith.andi %ne3A_27, %ne3A_23 : i1
    %add3A_29 = arith.addi %rem3A_21, %select_n3A_20 : i32
    %select_n3A_30 = arith.select %and3A_28, %add3A_29, %rem3A_21 : i32
    tpu.enqueue_dma source(%arg3 : memref<16xi32, #tpu.memory_space<hbm>>) target(%arg5 : memref<16xi32, #tpu.memory_space<vmem>>) target_semaphore(%arg8 : memref<!tpu.dma_semaphore, #tpu.memory_space<semaphore_mem>>)
    %broadcast_in_dim3A = arith.constant -1.000000e+00 : f32
    %broadcast_in_dim3A_31 = vector.broadcast %broadcast_in_dim3A : f32 to vector<16xf32>
    %parallel_loop3A = arith.constant 0 : i32
    %parallel_loop3A_32 = arith.constant 2048 : i32
    %parallel_loop3A_33 = arith.constant 16 : i32
    scf.for %parallel_loop3A_251 = %parallel_loop3A to %parallel_loop3A_32 step %parallel_loop3A_33  : i32 {
      %parallel_loop3A_252 = arith.index_cast %parallel_loop3A_251 : i32 to index
      %parallel_loop3A_253 = tpu.vector_load %arg7[%parallel_loop3A_252] {strides = array<i32>} : memref<2048xf32, #tpu.memory_space<vmem>>, vector<16xf32>,
      tpu.vector_store %arg7[%parallel_loop3A_252], %broadcast_in_dim3A_31 {strides = array<i32>} : memref<2048xf32, #tpu.memory_space<vmem>>, vector<16xf32>,
    } {sc.loop_unroll_factor = 8 : i64, sc.parallel_access}
    tpu.wait_dma2 semaphore(%arg8 : memref<!tpu.dma_semaphore, #tpu.memory_space<semaphore_mem>>) src(%arg3 : memref<16xi32, #tpu.memory_space<hbm>>) dst(%arg5 : memref<16xi32, #tpu.memory_space<vmem>>)
    %get3A = arith.constant 0 : index
    %get3A_34 = tpu.vector_load %arg5[%get3A] {strides = array<i32>} : memref<16xi32, #tpu.memory_space<vmem>>, vector<16xi32>,
    %slice3A = vector.extract_strided_slice %get3A_34 {offsets = [0], sizes = [1], strides = [1]} : vector<16xi32> to vector<1xi32>
    %squeeze3A = vector.extract %slice3A[0] : i32 from vector<1xi32>
    %gt3A = arith.constant 0 : i32
    %gt3A_35 = arith.cmpi sgt, %select_n3A, %gt3A : i32
    %jit3A_36 = arith.constant 0 : i32
    %select_n3A_37 = arith.select %gt3A_35, %squeeze3A, %jit3A_36 : i32
    %add3A_38 = arith.constant 0 : i32
    %add3A_39 = arith.addi %add3A_38, %select_n3A_37 : i32
    %eq3A_40 = arith.constant 0 : i32
    %eq3A_41 = arith.cmpi eq, %select_n3A, %eq3A_40 : i32
    %jit3A_42 = arith.constant 0 : i32
    %select_n3A_43 = arith.select %eq3A_41, %squeeze3A, %jit3A_42 : i32
    %add3A_44 = arith.constant 0 : i32
    %add3A_45 = arith.addi %add3A_44, %select_n3A_43 : i32
    %slice3A_46 = vector.extract_strided_slice %get3A_34 {offsets = [1], sizes = [1], strides = [1]} : vector<16xi32> to vector<1xi32>
    %squeeze3A_47 = vector.extract %slice3A_46[0] : i32 from vector<1xi32>
    %gt3A_48 = arith.constant 1 : i32
    %gt3A_49 = arith.cmpi sgt, %select_n3A, %gt3A_48 : i32
    %jit3A_50 = arith.constant 0 : i32
    %select_n3A_51 = arith.select %gt3A_49, %squeeze3A_47, %jit3A_50 : i32
    %add3A_52 = arith.addi %add3A_39, %select_n3A_51 : i32
    %eq3A_53 = arith.constant 1 : i32
    %eq3A_54 = arith.cmpi eq, %select_n3A, %eq3A_53 : i32
    %jit3A_55 = arith.constant 0 : i32
    %select_n3A_56 = arith.select %eq3A_54, %squeeze3A_47, %jit3A_55 : i32
    %add3A_57 = arith.addi %add3A_45, %select_n3A_56 : i32
    %slice3A_58 = vector.extract_strided_slice %get3A_34 {offsets = [2], sizes = [1], strides = [1]} : vector<16xi32> to vector<1xi32>
    %squeeze3A_59 = vector.extract %slice3A_58[0] : i32 from vector<1xi32>
    %gt3A_60 = arith.constant 2 : i32
    %gt3A_61 = arith.cmpi sgt, %select_n3A, %gt3A_60 : i32
    %jit3A_62 = arith.constant 0 : i32
    %select_n3A_63 = arith.select %gt3A_61, %squeeze3A_59, %jit3A_62 : i32
    %add3A_64 = arith.addi %add3A_52, %select_n3A_63 : i32
    %eq3A_65 = arith.constant 2 : i32
    %eq3A_66 = arith.cmpi eq, %select_n3A, %eq3A_65 : i32
    %jit3A_67 = arith.constant 0 : i32
    %select_n3A_68 = arith.select %eq3A_66, %squeeze3A_59, %jit3A_67 : i32
    %add3A_69 = arith.addi %add3A_57, %select_n3A_68 : i32
    %slice3A_70 = vector.extract_strided_slice %get3A_34 {offsets = [3], sizes = [1], strides = [1]} : vector<16xi32> to vector<1xi32>
    %squeeze3A_71 = vector.extract %slice3A_70[0] : i32 from vector<1xi32>
    %gt3A_72 = arith.constant 3 : i32
    %gt3A_73 = arith.cmpi sgt, %select_n3A, %gt3A_72 : i32
    %jit3A_74 = arith.constant 0 : i32
    %select_n3A_75 = arith.select %gt3A_73, %squeeze3A_71, %jit3A_74 : i32
    %add3A_76 = arith.addi %add3A_64, %select_n3A_75 : i32
    %eq3A_77 = arith.constant 3 : i32
    %eq3A_78 = arith.cmpi eq, %select_n3A, %eq3A_77 : i32
    %jit3A_79 = arith.constant 0 : i32
    %select_n3A_80 = arith.select %eq3A_78, %squeeze3A_71, %jit3A_79 : i32
    %add3A_81 = arith.addi %add3A_69, %select_n3A_80 : i32
    %slice3A_82 = vector.extract_strided_slice %get3A_34 {offsets = [4], sizes = [1], strides = [1]} : vector<16xi32> to vector<1xi32>
    %squeeze3A_83 = vector.extract %slice3A_82[0] : i32 from vector<1xi32>
    %gt3A_84 = arith.constant 4 : i32
    %gt3A_85 = arith.cmpi sgt, %select_n3A, %gt3A_84 : i32
    %jit3A_86 = arith.constant 0 : i32
    %select_n3A_87 = arith.select %gt3A_85, %squeeze3A_83, %jit3A_86 : i32
    %add3A_88 = arith.addi %add3A_76, %select_n3A_87 : i32
    %eq3A_89 = arith.constant 4 : i32
    %eq3A_90 = arith.cmpi eq, %select_n3A, %eq3A_89 : i32
    %jit3A_91 = arith.constant 0 : i32
    %select_n3A_92 = arith.select %eq3A_90, %squeeze3A_83, %jit3A_91 : i32
    %add3A_93 = arith.addi %add3A_81, %select_n3A_92 : i32
    %slice3A_94 = vector.extract_strided_slice %get3A_34 {offsets = [5], sizes = [1], strides = [1]} : vector<16xi32> to vector<1xi32>
    %squeeze3A_95 = vector.extract %slice3A_94[0] : i32 from vector<1xi32>
    %gt3A_96 = arith.constant 5 : i32
    %gt3A_97 = arith.cmpi sgt, %select_n3A, %gt3A_96 : i32
    %jit3A_98 = arith.constant 0 : i32
    %select_n3A_99 = arith.select %gt3A_97, %squeeze3A_95, %jit3A_98 : i32
    %add3A_100 = arith.addi %add3A_88, %select_n3A_99 : i32
    %eq3A_101 = arith.constant 5 : i32
    %eq3A_102 = arith.cmpi eq, %select_n3A, %eq3A_101 : i32
    %jit3A_103 = arith.constant 0 : i32
    %select_n3A_104 = arith.select %eq3A_102, %squeeze3A_95, %jit3A_103 : i32
    %add3A_105 = arith.addi %add3A_93, %select_n3A_104 : i32
    %slice3A_106 = vector.extract_strided_slice %get3A_34 {offsets = [6], sizes = [1], strides = [1]} : vector<16xi32> to vector<1xi32>
    %squeeze3A_107 = vector.extract %slice3A_106[0] : i32 from vector<1xi32>
    %gt3A_108 = arith.constant 6 : i32
    %gt3A_109 = arith.cmpi sgt, %select_n3A, %gt3A_108 : i32
    %jit3A_110 = arith.constant 0 : i32
    %select_n3A_111 = arith.select %gt3A_109, %squeeze3A_107, %jit3A_110 : i32
    %add3A_112 = arith.addi %add3A_100, %select_n3A_111 : i32
    %eq3A_113 = arith.constant 6 : i32
    %eq3A_114 = arith.cmpi eq, %select_n3A, %eq3A_113 : i32
    %jit3A_115 = arith.constant 0 : i32
    %select_n3A_116 = arith.select %eq3A_114, %squeeze3A_107, %jit3A_115 : i32
    %add3A_117 = arith.addi %add3A_105, %select_n3A_116 : i32
    %slice3A_118 = vector.extract_strided_slice %get3A_34 {offsets = [7], sizes = [1], strides = [1]} : vector<16xi32> to vector<1xi32>
    %squeeze3A_119 = vector.extract %slice3A_118[0] : i32 from vector<1xi32>
    %gt3A_120 = arith.constant 7 : i32
    %gt3A_121 = arith.cmpi sgt, %select_n3A, %gt3A_120 : i32
    %jit3A_122 = arith.constant 0 : i32
    %select_n3A_123 = arith.select %gt3A_121, %squeeze3A_119, %jit3A_122 : i32
    %add3A_124 = arith.addi %add3A_112, %select_n3A_123 : i32
    %eq3A_125 = arith.constant 7 : i32
    %eq3A_126 = arith.cmpi eq, %select_n3A, %eq3A_125 : i32
    %jit3A_127 = arith.constant 0 : i32
    %select_n3A_128 = arith.select %eq3A_126, %squeeze3A_119, %jit3A_127 : i32
    %add3A_129 = arith.addi %add3A_117, %select_n3A_128 : i32
    %slice3A_130 = vector.extract_strided_slice %get3A_34 {offsets = [8], sizes = [1], strides = [1]} : vector<16xi32> to vector<1xi32>
    %squeeze3A_131 = vector.extract %slice3A_130[0] : i32 from vector<1xi32>
    %gt3A_132 = arith.constant 8 : i32
    %gt3A_133 = arith.cmpi sgt, %select_n3A, %gt3A_132 : i32
    %jit3A_134 = arith.constant 0 : i32
    %select_n3A_135 = arith.select %gt3A_133, %squeeze3A_131, %jit3A_134 : i32
    %add3A_136 = arith.addi %add3A_124, %select_n3A_135 : i32
    %eq3A_137 = arith.constant 8 : i32
    %eq3A_138 = arith.cmpi eq, %select_n3A, %eq3A_137 : i32
    %jit3A_139 = arith.constant 0 : i32
    %select_n3A_140 = arith.select %eq3A_138, %squeeze3A_131, %jit3A_139 : i32
    %add3A_141 = arith.addi %add3A_129, %select_n3A_140 : i32
    %slice3A_142 = vector.extract_strided_slice %get3A_34 {offsets = [9], sizes = [1], strides = [1]} : vector<16xi32> to vector<1xi32>
    %squeeze3A_143 = vector.extract %slice3A_142[0] : i32 from vector<1xi32>
    %gt3A_144 = arith.constant 9 : i32
    %gt3A_145 = arith.cmpi sgt, %select_n3A, %gt3A_144 : i32
    %jit3A_146 = arith.constant 0 : i32
    %select_n3A_147 = arith.select %gt3A_145, %squeeze3A_143, %jit3A_146 : i32
    %add3A_148 = arith.addi %add3A_136, %select_n3A_147 : i32
    %eq3A_149 = arith.constant 9 : i32
    %eq3A_150 = arith.cmpi eq, %select_n3A, %eq3A_149 : i32
    %jit3A_151 = arith.constant 0 : i32
    %select_n3A_152 = arith.select %eq3A_150, %squeeze3A_143, %jit3A_151 : i32
    %add3A_153 = arith.addi %add3A_141, %select_n3A_152 : i32
    %slice3A_154 = vector.extract_strided_slice %get3A_34 {offsets = [10], sizes = [1], strides = [1]} : vector<16xi32> to vector<1xi32>
    %squeeze3A_155 = vector.extract %slice3A_154[0] : i32 from vector<1xi32>
    %gt3A_156 = arith.constant 10 : i32
    %gt3A_157 = arith.cmpi sgt, %select_n3A, %gt3A_156 : i32
    %jit3A_158 = arith.constant 0 : i32
    %select_n3A_159 = arith.select %gt3A_157, %squeeze3A_155, %jit3A_158 : i32
    %add3A_160 = arith.addi %add3A_148, %select_n3A_159 : i32
    %eq3A_161 = arith.constant 10 : i32
    %eq3A_162 = arith.cmpi eq, %select_n3A, %eq3A_161 : i32
    %jit3A_163 = arith.constant 0 : i32
    %select_n3A_164 = arith.select %eq3A_162, %squeeze3A_155, %jit3A_163 : i32
    %add3A_165 = arith.addi %add3A_153, %select_n3A_164 : i32
    %slice3A_166 = vector.extract_strided_slice %get3A_34 {offsets = [11], sizes = [1], strides = [1]} : vector<16xi32> to vector<1xi32>
    %squeeze3A_167 = vector.extract %slice3A_166[0] : i32 from vector<1xi32>
    %gt3A_168 = arith.constant 11 : i32
    %gt3A_169 = arith.cmpi sgt, %select_n3A, %gt3A_168 : i32
    %jit3A_170 = arith.constant 0 : i32
    %select_n3A_171 = arith.select %gt3A_169, %squeeze3A_167, %jit3A_170 : i32
    %add3A_172 = arith.addi %add3A_160, %select_n3A_171 : i32
    %eq3A_173 = arith.constant 11 : i32
    %eq3A_174 = arith.cmpi eq, %select_n3A, %eq3A_173 : i32
    %jit3A_175 = arith.constant 0 : i32
    %select_n3A_176 = arith.select %eq3A_174, %squeeze3A_167, %jit3A_175 : i32
    %add3A_177 = arith.addi %add3A_165, %select_n3A_176 : i32
    %slice3A_178 = vector.extract_strided_slice %get3A_34 {offsets = [12], sizes = [1], strides = [1]} : vector<16xi32> to vector<1xi32>
    %squeeze3A_179 = vector.extract %slice3A_178[0] : i32 from vector<1xi32>
    %gt3A_180 = arith.constant 12 : i32
    %gt3A_181 = arith.cmpi sgt, %select_n3A, %gt3A_180 : i32
    %jit3A_182 = arith.constant 0 : i32
    %select_n3A_183 = arith.select %gt3A_181, %squeeze3A_179, %jit3A_182 : i32
    %add3A_184 = arith.addi %add3A_172, %select_n3A_183 : i32
    %eq3A_185 = arith.constant 12 : i32
    %eq3A_186 = arith.cmpi eq, %select_n3A, %eq3A_185 : i32
    %jit3A_187 = arith.constant 0 : i32
    %select_n3A_188 = arith.select %eq3A_186, %squeeze3A_179, %jit3A_187 : i32
    %add3A_189 = arith.addi %add3A_177, %select_n3A_188 : i32
    %slice3A_190 = vector.extract_strided_slice %get3A_34 {offsets = [13], sizes = [1], strides = [1]} : vector<16xi32> to vector<1xi32>
    %squeeze3A_191 = vector.extract %slice3A_190[0] : i32 from vector<1xi32>
    %gt3A_192 = arith.constant 13 : i32
    %gt3A_193 = arith.cmpi sgt, %select_n3A, %gt3A_192 : i32
    %jit3A_194 = arith.constant 0 : i32
    %select_n3A_195 = arith.select %gt3A_193, %squeeze3A_191, %jit3A_194 : i32
    %add3A_196 = arith.addi %add3A_184, %select_n3A_195 : i32
    %eq3A_197 = arith.constant 13 : i32
    %eq3A_198 = arith.cmpi eq, %select_n3A, %eq3A_197 : i32
    %jit3A_199 = arith.constant 0 : i32
    %select_n3A_200 = arith.select %eq3A_198, %squeeze3A_191, %jit3A_199 : i32
    %add3A_201 = arith.addi %add3A_189, %select_n3A_200 : i32
    %slice3A_202 = vector.extract_strided_slice %get3A_34 {offsets = [14], sizes = [1], strides = [1]} : vector<16xi32> to vector<1xi32>
    %squeeze3A_203 = vector.extract %slice3A_202[0] : i32 from vector<1xi32>
    %gt3A_204 = arith.constant 14 : i32
    %gt3A_205 = arith.cmpi sgt, %select_n3A, %gt3A_204 : i32
    %jit3A_206 = arith.constant 0 : i32
    %select_n3A_207 = arith.select %gt3A_205, %squeeze3A_203, %jit3A_206 : i32
    %add3A_208 = arith.addi %add3A_196, %select_n3A_207 : i32
    %eq3A_209 = arith.constant 14 : i32
    %eq3A_210 = arith.cmpi eq, %select_n3A, %eq3A_209 : i32
    %jit3A_211 = arith.constant 0 : i32
    %select_n3A_212 = arith.select %eq3A_210, %squeeze3A_203, %jit3A_211 : i32
    %add3A_213 = arith.addi %add3A_201, %select_n3A_212 : i32
    %slice3A_214 = vector.extract_strided_slice %get3A_34 {offsets = [15], sizes = [1], strides = [1]} : vector<16xi32> to vector<1xi32>
    %squeeze3A_215 = vector.extract %slice3A_214[0] : i32 from vector<1xi32>
    %gt3A_216 = arith.constant 15 : i32
    %gt3A_217 = arith.cmpi sgt, %select_n3A, %gt3A_216 : i32
    %jit3A_218 = arith.constant 0 : i32
    %select_n3A_219 = arith.select %gt3A_217, %squeeze3A_215, %jit3A_218 : i32
    %add3A_220 = arith.addi %add3A_208, %select_n3A_219 : i32
    %eq3A_221 = arith.constant 15 : i32
    %eq3A_222 = arith.cmpi eq, %select_n3A, %eq3A_221 : i32
    %jit3A_223 = arith.constant 0 : i32
    %select_n3A_224 = arith.select %eq3A_222, %squeeze3A_215, %jit3A_223 : i32
    %add3A_225 = arith.addi %add3A_213, %select_n3A_224 : i32
    %mul3A_226 = arith.constant 2048 : i32
    %mul3A_227 = arith.muli %select_n3A_30, %mul3A_226 : i32
    %add3A_228 = arith.addi %add3A_220, %mul3A_227 : i32
    %shift_right_arithmetic3A = arith.constant 3 : i32
    %shift_right_arithmetic3A_229 = arith.shrsi %add3A_228, %shift_right_arithmetic3A : i32
    %shift_left3A = arith.constant 3 : i32
    %shift_left3A_230 = arith.shli %shift_right_arithmetic3A_229, %shift_left3A : i32
    %min3A = arith.constant 31448 : i32
    %min3A_231 = arith.minsi %shift_left3A_230, %min3A : i32
    %multiple_of3A = tpu.assume_multiple %min3A_231, 8 : i32
    %sub3A_232 = arith.subi %add3A_228, %multiple_of3A : i32
    "tpu.region"() ({
      %run_scoped3A = tpu.sem_alloc : memref<!tpu.dma_semaphore, #tpu.memory_space<semaphore_mem>>
      %dma_start3A = arith.constant 0 : i32
      %dma_start3A_251 = tpu.memref_slice %arg6[%dma_start3A] : memref<2096xf32, #tpu.memory_space<vmem>> -> memref<2064xf32, #tpu.memory_space<vmem>>
      %dma_start3A_252 = tpu.memref_slice %arg2[%multiple_of3A] : memref<33512xf32, #tpu.memory_space<hbm>> -> memref<2064xf32, #tpu.memory_space<hbm>>
      %dma_start3A_253 = arith.constant 0 : i32
      %dma_start3A_254 = tpu.memref_slice %arg6[%dma_start3A_253] : memref<2096xf32, #tpu.memory_space<vmem>> -> memref<2064xf32, #tpu.memory_space<vmem>>
      %dma_start3A_255 = tpu.memref_slice %arg2[%multiple_of3A] : memref<33512xf32, #tpu.memory_space<hbm>> -> memref<2064xf32, #tpu.memory_space<hbm>>
      tpu.enqueue_dma source(%dma_start3A_255 : memref<2064xf32, #tpu.memory_space<hbm>>) target(%dma_start3A_254 : memref<2064xf32, #tpu.memory_space<vmem>>) target_semaphore(%run_scoped3A : memref<!tpu.dma_semaphore, #tpu.memory_space<semaphore_mem>>)
      %dma_wait3A = arith.constant 0 : i32
      %dma_wait3A_256 = tpu.memref_slice %arg6[%dma_wait3A] : memref<2096xf32, #tpu.memory_space<vmem>> -> memref<2064xf32, #tpu.memory_space<vmem>>
      %dma_wait3A_257 = tpu.memref_slice %arg2[%multiple_of3A] : memref<33512xf32, #tpu.memory_space<hbm>> -> memref<2064xf32, #tpu.memory_space<hbm>>
      %dma_wait3A_258 = arith.constant 0 : i32
      %dma_wait3A_259 = tpu.memref_slice %arg6[%dma_wait3A_258] : memref<2096xf32, #tpu.memory_space<vmem>> -> memref<2064xf32, #tpu.memory_space<vmem>>
      %dma_wait3A_260 = tpu.memref_slice %arg2[%multiple_of3A] : memref<33512xf32, #tpu.memory_space<hbm>> -> memref<2064xf32, #tpu.memory_space<hbm>>
      tpu.wait_dma2 semaphore(%run_scoped3A : memref<!tpu.dma_semaphore, #tpu.memory_space<semaphore_mem>>) src(%dma_wait3A_260 : memref<2064xf32, #tpu.memory_space<hbm>>) dst(%dma_wait3A_259 : memref<2064xf32, #tpu.memory_space<vmem>>)
      tpu.yield
    }) : () -> ()
    %sub3A_233 = arith.subi %add3A_225, %mul3A_227 : i32
    %jit3A_234 = arith.constant 0 : i32
    %jit3A_235 = arith.constant 2048 : i32
    %max3A = arith.maxsi %jit3A_234, %sub3A_233 : i32
    %min3A_236 = arith.minsi %jit3A_235, %max3A : i32
    %add3A_237 = arith.constant 15 : i32
    %add3A_238 = arith.addi %min3A_236, %add3A_237 : i32
    %shift_right_arithmetic3A_239 = arith.constant 4 : i32
    %shift_right_arithmetic3A_240 = arith.shrsi %add3A_238, %shift_right_arithmetic3A_239 : i32
    %iota3A = tpu.iota {dimensions = array<i32: 0>} : vector<16xi32>
    %add3A_241 = vector.broadcast %sub3A_232 : i32 to vector<16xi32>
    %add3A_242 = arith.addi %add3A_241, %iota3A : vector<16xi32>
    %add3A_243 = vector.broadcast %mul3A_227 : i32 to vector<16xi32>
    %add3A_244 = arith.addi %add3A_243, %iota3A : vector<16xi32>
    %mul3A_245 = arith.constant 16 : i32
    %mul3A_246 = arith.muli %shift_right_arithmetic3A_240, %mul3A_245 : i32
    %parallel_loop3A_247 = arith.constant 0 : i32
    %parallel_loop3A_248 = arith.constant 16 : i32
    scf.for %parallel_loop3A_251 = %parallel_loop3A_247 to %mul3A_246 step %parallel_loop3A_248  : i32 {
      %parallel_loop3A_252 = vector.broadcast %parallel_loop3A_251 : i32 to vector<16xi32>
      %parallel_loop3A_253 = arith.addi %parallel_loop3A_252, %add3A_242 : vector<16xi32>
      %parallel_loop3A_254 = tpu.vector_load_idx %arg6[%parallel_loop3A_253] : memref<2096xf32, #tpu.memory_space<vmem>>[vector<16xi32>], vector<16xf32>,
      %parallel_loop3A_255 = vector.broadcast %parallel_loop3A_251 : i32 to vector<16xi32>
      %parallel_loop3A_256 = arith.addi %parallel_loop3A_255, %add3A_244 : vector<16xi32>
      %parallel_loop3A_257 = vector.broadcast %add3A_225 : i32 to vector<16xi32>
      %parallel_loop3A_258 = arith.cmpi slt, %parallel_loop3A_256, %parallel_loop3A_257 : vector<16xi32>
      %parallel_loop3A_259 = arith.select %parallel_loop3A_258, %parallel_loop3A_254, %broadcast_in_dim3A_31 : vector<16xi1>, vector<16xf32>
      %parallel_loop3A_260 = arith.index_cast %parallel_loop3A_251 : i32 to index
      %parallel_loop3A_261 = tpu.vector_load %arg7[%parallel_loop3A_260] {strides = array<i32>} : memref<2048xf32, #tpu.memory_space<vmem>>, vector<16xf32>,
      tpu.vector_store %arg7[%parallel_loop3A_260], %parallel_loop3A_259 {strides = array<i32>} : memref<2048xf32, #tpu.memory_space<vmem>>, vector<16xf32>,
    } {sc.loop_unroll_factor = 8 : i64, sc.parallel_access}
    %mul3A_249 = arith.constant 2048 : i32
    %mul3A_250 = arith.muli %add3A, %mul3A_249 : i32
    "tpu.region"() ({
      %run_scoped3A = tpu.sem_alloc : memref<!tpu.dma_semaphore, #tpu.memory_space<semaphore_mem>>
      %dma_start3A = tpu.memref_slice %arg4[%mul3A_250] : memref<65536xf32, #tpu.memory_space<hbm>> -> memref<2048xf32, #tpu.memory_space<hbm>>
      %dma_start3A_251 = tpu.memref_slice %arg4[%mul3A_250] : memref<65536xf32, #tpu.memory_space<hbm>> -> memref<2048xf32, #tpu.memory_space<hbm>>
      tpu.enqueue_dma source(%arg7 : memref<2048xf32, #tpu.memory_space<vmem>>) target(%dma_start3A_251 : memref<2048xf32, #tpu.memory_space<hbm>>) target_semaphore(%run_scoped3A : memref<!tpu.dma_semaphore, #tpu.memory_space<semaphore_mem>>)
      %dma_wait3A = tpu.memref_slice %arg4[%mul3A_250] : memref<65536xf32, #tpu.memory_space<hbm>> -> memref<2048xf32, #tpu.memory_space<hbm>>
      %dma_wait3A_252 = tpu.memref_slice %arg4[%mul3A_250] : memref<65536xf32, #tpu.memory_space<hbm>> -> memref<2048xf32, #tpu.memory_space<hbm>>
      tpu.wait_dma2 semaphore(%run_scoped3A : memref<!tpu.dma_semaphore, #tpu.memory_space<semaphore_mem>>) src(%arg7 : memref<2048xf32, #tpu.memory_space<vmem>>) dst(%dma_wait3A_252 : memref<2048xf32, #tpu.memory_space<hbm>>)
      tpu.yield
    }) : () -> ()
    return
  }
}

</mosaic_0001>

<sc_bundles>
// kernel: kernel.3.cloned.1.call-start
scs
__scs_entry_jumppad:
0x0: {  	(pc) =	sbr.rel $0x88, $3  }
0x1: {  	(tag) =	ssettag $0x0;
	lr =	simm.s32 $0x1  }
0x2: {  	[smem:$0x3F9F] =	sst lr;
	_ =	strace $0xD0000000  }
0x3: {  	_ = 	snop  }
0x4: {  	_ = 	snop  }
0x5: {  	_ = 	snop  }
0x6: {  	_ = 	snop  }
0x7: {  	_ = 	snop  }
__scs_overlays_trampoline_lowered:
0x8: {  	[smem:$0x3FAE] =	sst s0  }
0x9: {  	[smem:$0x3FAF] =	sst s1  }
0xa: {  	[smem:$0x3FB0] =	sst s2  }
0xb: {  	[smem:$0x3FB1] =	sst s3  }
0xc: {  	[smem:$0x3FB2] =	sst s4  }
0xd: {  	[smem:$0x3FB3] =	sst s5  }
0xe: {  	[smem:$0x3FB4] =	sst s6  }
0xf: {  	[smem:$0x3FB5] =	sst s7  }
0x10: {  	[smem:$0x3FB6] =	sst s8  }
0x11: {  	[smem:$0x3FB7] =	sst s9;
	s0 =	simm.s32 @!p0 $0x0  }
0x12: {  	s1 =	sld [smem:$0x3F9D];
	s0 =	simm.s32 @p0 $0x1  }
0x13: {  	[smem:$0x3FB8] =	sst s0;
	s0 =	simm.s32 @!p1 $0x0  }
0x14: {  	s2 =	sld [smem:$0x3F9C];
	s0 =	simm.s32 @p1 $0x1  }
0x15: {  	[smem:$0x3FB9] =	sst s0;
	s0 =	simm.s32 @!p2 $0x0  }
0x16: {  	s3 =	sld [smem:$0x3FDB];
	s0 =	simm.s32 @p2 $0x1  }
0x17: {  	s4 =	simm.s32 $0x1BF5;
	[smem:$0x3FBB] =	sst s0  }
0x18: {  	s0 =	sld [smem:$0x3F9E];
	_ =	swait.ge [sflag:s4], $0x0  }
0x19: {  	s7 =	sld [smem:$0x3F9F]  }
0x1a: {  	s8 =	sadd.s32 $0xFFFFE003, lr  }
0x1b: {  	s9 =	sadd.s32 $0xFFFFFEF7, lr;
	s5 =	simm.s32 $0xFFFFFFFF;
	p2 =	slt.u32 s8, $0xFFFFF086  }
0x1c: {  	p1 =	slt.u32 s9, $0xF7A;
	s5 =	simm.s32 @!p2 $0x0  }
0x1d: {  	s5 =	simm.s32 @p1 $0x1;
	p0 =	seq.s32 s7, s2  }
0x1e: {  	s7 =	smul.u32 @!p0 $0xF7A, s2;
	p2 =	seq.s32 @!p0 s5, $0x0  }
0x1f: {  	s9 =	smul.u32 $0xF7A, s1;
	s8 =	simm.s32 @!p0 $0x1BF5;
	p2 =	por !p2, p0  }
0x20: {  	[sflag:s8] =	ssyncset.s32 @!p0 $0xFFFFF086;
	s6 =	sadd.s32 @!p0 s3, s7;
	s7 =	simm.s32 @!p0 $0x108  }
0x21: {  	s3 =	sadd.s32 s3, s9;
	s6 =	sadd.s32 @!p0 $0x88, s6;
	s7 =	simm.s32 @p2 $0x1082  }
0x22: {  	[simem:s7], [sflag:s8] =	dma.local @!p0 [hbm:s6], $0xF7A  }
0x23: {  	s9 =	sor.u32 $0xD0000000, s2;
	s6 =	simm.s32 $0x108;
	_ =	swait.ge @!p0 [sflag:s8], $0x0  }
0x24: {  	s3 =	sadd.s32 $0x88, s3;
	s6 =	simm.s32 @!p1 $0x1082;
	[sflag:s4] =	ssyncset.s32 $0xFFFFF086  }
0x25: {  	[simem:s6], [sflag:s4] =	dma.local [hbm:s3], $0xF7A  }
0x26: {  	[smem:$0x3F9F] =	sst s1;
	(tag) =	ssettag s2;
	_ =	strace s9  }
0x27: {  	s1 =	sld [smem:$0x3FAF]  }
0x28: {  	s2 =	sld [smem:$0x3FB0]  }
0x29: {  	s4 =	sld [smem:$0x3FB2]  }
0x2a: {  	p0 =	seq.s32 s5, $0x0;
	s5 =	sld [smem:$0x3FB3]  }
0x2b: {  	s6 =	sld [smem:$0x3FB4]  }
0x2c: {  	s7 =	sld [smem:$0x3FB5]  }
0x2d: {  	s3 =	simm.s32 $0x108;
	s8 =	sld [smem:$0x3FB6]  }
0x2e: {  	s3 =	simm.s32 @!p0 $0x1082;
	s9 =	sld [smem:$0x3FB7]  }
0x2f: {  	lr =	sadd.s32 s0, s3;
	s0 =	sld [smem:$0x3FAE]  }
0x30: {  	s3 =	sld [smem:$0x3FB1]  }
0x31: {  	[smem:$0x3FBA] =	sst s10  }
0x32: {  	s10 =	sld [smem:$0x3FB8];
	_ =	sdelay $0x3  }
0x33: {  	p0 =	seq.s32 s10, $0x1;
	s10 =	sld [smem:$0x3FBA];
	_ =	sdelay $0x3  }
0x34: {  	[smem:$0x3FBA] =	sst s10  }
0x35: {  	s10 =	sld [smem:$0x3FB9];
	_ =	sdelay $0x3  }
0x36: {  	p1 =	seq.s32 s10, $0x1;
	s10 =	sld [smem:$0x3FBA];
	_ =	sdelay $0x3  }
0x37: {  	[smem:$0x3FBA] =	sst s10  }
0x38: {  	s10 =	sld [smem:$0x3FBB]  }
0x39: {  	_ = 	snop;
	(pc) =	sbr.ind lr, $3  }
0x3a: {  	_ = 	snop  }
0x3b: {  	_ = 	snop  }
0x3c: {  	p2 =	seq.s32 s10, $0x1;
	s10 =	sld [smem:$0x3FBA]  }
0x3d: {  	_ =	shalt  }
0x3e: {  	_ =	shalt  }
0x3f: {  	_ =	shalt  }
0x40: {  	_ =	shalt  }
0x41: {  	_ =	shalt  }
0x42: {  	_ =	shalt  }
0x43: {  	_ =	shalt  }
0x44: {  	_ =	shalt  }
0x45: {  	_ =	shalt  }
0x46: {  	_ =	shalt  }
0x47: {  	_ =	shalt  }
0x48: {  	_ =	shalt  }
0x49: {  	_ =	shalt  }
0x4a: {  	_ =	shalt  }
0x4b: {  	_ =	shalt  }
0x4c: {  	_ =	shalt  }
0x4d: {  	_ =	shalt  }
0x4e: {  	_ =	shalt  }
0x4f: {  	_ =	shalt  }
0x50: {  	_ =	shalt  }
0x51: {  	_ =	shalt  }
0x52: {  	_ =	shalt  }
0x53: {  	_ =	shalt  }
0x54: {  	_ =	shalt  }
0x55: {  	_ =	shalt  }
0x56: {  	_ =	shalt  }
0x57: {  	_ =	shalt  }
0x58: {  	_ =	shalt  }
0x59: {  	_ =	shalt  }
0x5a: {  	_ =	shalt  }
0x5b: {  	_ =	shalt  }
0x5c: {  	_ =	shalt  }
0x5d: {  	_ =	shalt  }
0x5e: {  	_ =	shalt  }
0x5f: {  	_ =	shalt  }
0x60: {  	_ =	shalt  }
0x61: {  	_ =	shalt  }
0x62: {  	_ =	shalt  }
0x63: {  	_ =	shalt  }
0x64: {  	_ =	shalt  }
0x65: {  	_ =	shalt  }
0x66: {  	_ =	shalt  }
0x67: {  	_ =	shalt  }
0x68: {  	_ =	shalt  }
0x69: {  	_ =	shalt  }
0x6a: {  	_ =	shalt  }
0x6b: {  	_ =	shalt  }
0x6c: {  	_ =	shalt  }
0x6d: {  	_ =	shalt  }
0x6e: {  	_ =	shalt  }
0x6f: {  	_ =	shalt  }
0x70: {  	_ =	shalt  }
0x71: {  	_ =	shalt  }
0x72: {  	_ =	shalt  }
0x73: {  	_ =	shalt  }
0x74: {  	_ =	shalt  }
0x75: {  	_ =	shalt  }
0x76: {  	_ =	shalt  }
0x77: {  	_ =	shalt  }
0x78: {  	_ =	shalt  }
0x79: {  	_ =	shalt  }
0x7a: {  	_ =	shalt  }
0x7b: {  	_ =	shalt  }
0x7c: {  	_ =	shalt  }
0x7d: {  	_ =	shalt  }
0x7e: {  	_ =	shalt  }
0x7f: {  	_ =	shalt  }
0x80: {  	_ =	shalt  }
0x81: {  	_ =	shalt  }
0x82: {  	_ =	shalt  }
0x83: {  	_ =	shalt  }
0x84: {  	_ =	shalt  }
0x85: {  	_ =	shalt  }
0x86: {  	_ =	shalt  }
0x87: {  	_ =	shalt  }
.Lfunc_end0:
.L_simem_size_0:
called_computation_lowered:
.L_overlay_start_0:
0x88: {  	s2 =	sld [smem:$0x3FD9]  }
0x89: {  	s3 =	sld [smem:$0x3FFE];
	_ =	sdelay $0x1  }
0x8a: {  	s1 =	srdreg.scid  }
0x8b: {  	s0 =	sand.u32 $0x1, s1  }
0x8c: {  	s17 =	sshll.u32 s0, $0xA;
	s2 =	sadd.s32 s3, s2  }
0x8d: {  	s2 =	sadd.s32 s2, s17  }
0x8e: {  	[smem:$0x3FC6] =	sst s2  }
0x8f: {  	_ = 	snop  }
0x90: {  	s2 =	sld [smem:$0x3FC9]  }
0x91: {  	s18 =	sld [smem:$0x3FC8];
	(tm) =	ssettm $0x1  }
0x92: {  	s4 =	sld [smem:$0x3FFB];
	_ =	sdelay $0x3  }
0x93: {  	_ =	strace s4  }
0x94: {  	s4 =	sld [smem:$0x3FFC];
	_ =	sdelay $0x3  }
0x95: {  	_ =	strace s4  }
0x96: {  	s4 =	sld [smem:$0x3FFD];
	_ =	sdelay $0x3  }
0x97: {  	_ =	strace s4  }
0x98: {  	_ =	strace $0x8FFFFFFF  }
0x99: {  	s19 =	sld [smem:$0x3FDB];
	_ =	sdelay $0x1  }
0x9a: {  	s5 =	simm.s32 $_scs_section_size  }
0x9b: {  	s6 =	simm.s32 $_size__tile_overlayer_lowered;
	s7 =	simm.s32 $_tile_overlayer_lowered  }
0x9c: {  	s22 =	simm.s32 $0x1BFF;
	s21 =	sshll.u32 s7, $0x1;
	s4 =	sadd.s32 s5, s19  }
0x9d: {  	s8 =	simm.s32 $0x0;
	s20 =	sshll.u32 s6, $0x1;
	s6 =	sadd.s32 s21, s4  }
0x9e: {  	[timem:s8], [sflag:s22] =	dma.local [hbm:s6], s20  }
0x9f: {  	_ =	swait.ge [sflag:s22], s20  }
0xa0: {  	s5 =	ssub.s32 $0x0, s20;
	[sflag:s22] =	ssyncset.done $0x0  }
0xa1: {  	[sflag:s22] =	ssyncadd.s32 s5;
	_ =	sdelay $0x1  }
0xa2: {  	s23 =	simm.s32 $0x1B8B  }
0xa3: {  	_ =	swait.ge [sflag:s23], $0x1  }
0xa4: {  	[sflag:s23] =	ssyncset.done $0x0  }
0xa5: {  	s25 =	simm.s32 $0x1B8E;
	s24 =	sld [smem:$0x3FFE];
	[sflag:s23] =	ssyncadd.s32 $0xFFFFFFFF  }
0xa6: {  	s26 =	simm.s32 $execute0_lowered;
	[smem:$0x3FD2] =	sst s25  }
0xa7: {  	s6 =	sshll.u32 s26, $0x1;
	_ =	strace $0x80000046;
	[dreg:$0x1] =	wrdreg $0xFFFFFFFF  }
0xa8: {  	s28 =	simm.s32 $_size_execute0_lowered;
	s4 =	sadd.s32 s4, s6;
	[dreg:$0x0] =	wrdreg $0x0  }
0xa9: {  	s6 =	sshll.u32 s28, $0x1;
	[dreg:$0x2] =	wrdreg s4  }
0xaa: {  	[dreg:$0x3] =	wrdreg s6  }
0xab: {  	[dreg:$0x4] =	wrdreg $0xC0  }
0xac: {  	_ =	task [dreg:s8], $0x5FFFF  }
0xad: {  	[dreg:$0x1] =	wrdreg $0xFFFFFFFF  }
0xae: {  	[dreg:$0x0] =	wrdreg $0x60  }
0xaf: {  	[dreg:$0x2] =	wrdreg s2  }
0xb0: {  	[dreg:$0x3] =	wrdreg s18  }
0xb1: {  	[dreg:$0x4] =	wrdreg s24  }
0xb2: {  	[dreg:$0x5] =	wrdreg $0x9  }
0xb3: {  	_ =	task.clear_ibuf [dreg:s8], $0x6FFFF;
	_ =	strace $0x90000046  }
0xb4: {  	s29 =	simm.s32 $0x9;
	_ =	strace $0x80000048  }
0xb5: {  	_ =	swait.ge [sflag:s29], $0x1  }
0xb6: {  	[sflag:s29] =	ssyncadd.s32 $0xFFFFFFFF  }
0xb7: {  	_ =	strace $0x90000048  }
0xb8: {  	_ =	sfence  }
0xb9: {  	s30 =	sld [smem:$0x0];
	_ =	sdelay $0x2  }
0xba: {  	s31 =	sshll.u32 s1, $0xD;
	s1 =	sshrl.u32 s1, $0x2  }
0xbb: {  	s3 =	sand.u32 $0x4000, s31;
	s1 =	sadd.s32 s1, s30  }
0xbc: {  	s0 =	sor.u32 s3, s0;
	s1 =	sshll.u32 s1, $0x11  }
0xbd: {  	s0 =	sor.u32 s1, s0  }
0xbe: {  	s0 =	sadd.s32 $0x8F2B, s0  }
0xbf: {  	[sflag:s0] =	ssyncadd.remote.s32 $0x1  }
0xc0: {  	_ =	sfence.sel $0xFFFF  }
0xc1: {  	[dreg:$0x0] =	wrdreg $0xFFFFFFFF;
	(pc) =	sbr.abs _section_cstart, $3  }
0xc2: {  	[dreg:$0x1] =	wrdreg $0xFFFFFFFF  }
0xc3: {  	_ =	task.clear_ibuf [dreg:s8], $0x2FFFF;
	_ =	strace $0x9FFFFFFF  }
0xc4: {  	(tm) =	ssettm $0x7FFFFFFF  }
0xc5: {  	_ =	shalt  }
tec
execute0_lowered:
.L_overlay_start_1:
0x0: {  	(tag) =	ssettag $0x1  }
0x1: {  	s6 =	srdreg.scid;
	s3 =	stileid.u32  }
0x2: {  	s6 =	sand.u32 $0x1, s6;
	s7 =	sshll.u32 s3, $0x1  }
0x3: {  	s7 =	sor.u32 s6, s7  }
0x4: {  	p1 =	seq.s32 s6, $0x1;
	p0 =	seq.s32 s7, $0x0  }
0x5: {  	p0 =	por !p0, !p1  }
0x6: {  	s9 =	simm.s32 $0x1;
	p0 =	por !p0, !p0  }
0x7: {  	s1 =	rddreg [dreg:$0x0];
	s9 =	simm.s32 @!p0 $0x0  }
0x8: {  	s2 =	rddreg [dreg:$0x1];
	s13 =	ssub.s32 s3, s9  }
0x9: {  	s5 =	rddreg [dreg:$0x2];
	p0 =	sgt.s32 s13, $0xE  }
0xa: {  	s0 =	rddreg [dreg:$0x3];
	s4 =	simm.s32 $0x0;
	s9 =	simm.s32 @!p0 $0x0  }
0xb: {  	[smem:$0x7FF] =	sst s4;
	s9 =	simm.s32 @p0 $0x1;
	p0 =	sgt.s32 s13, $0xD  }
0xc: {  	_ =	strace $0x80000047;
	[smem:$0x7E4] =	sst s9;
	s9 =	simm.s32 @!p0 $0x0  }
0xd: {  	s9 =	simm.s32 @p0 $0x1;
	p0 =	sgt.s32 s13, $0xC  }
0xe: {  	[smem:$0x7E5] =	sst s9;
	s9 =	simm.s32 @!p0 $0x0  }
0xf: {  	s9 =	simm.s32 @p0 $0x1;
	p0 =	sgt.s32 s13, $0xB  }
0x10: {  	[smem:$0x7E6] =	sst s9;
	s9 =	simm.s32 @!p0 $0x0  }
0x11: {  	s9 =	simm.s32 @p0 $0x1;
	p0 =	sgt.s32 s13, $0xA  }
0x12: {  	[smem:$0x7E7] =	sst s9;
	s9 =	simm.s32 @!p0 $0x0  }
0x13: {  	s9 =	simm.s32 @p0 $0x1;
	p0 =	sgt.s32 s13, $0x9  }
0x14: {  	[smem:$0x7E8] =	sst s9;
	s9 =	simm.s32 @!p0 $0x0  }
0x15: {  	s9 =	simm.s32 @p0 $0x1;
	p0 =	sgt.s32 s13, $0x8  }
0x16: {  	[smem:$0x7E9] =	sst s9;
	s9 =	simm.s32 @!p0 $0x0  }
0x17: {  	s9 =	simm.s32 @p0 $0x1;
	p0 =	sgt.s32 s13, $0x7  }
0x18: {  	s14 =	simm.s32 @!p0 $0x0  }
0x19: {  	s14 =	simm.s32 @p0 $0x1;
	p0 =	sgt.s32 s13, $0x6  }
0x1a: {  	[smem:$0x7EB] =	sst s14;
	s14 =	simm.s32 @!p0 $0x0  }
0x1b: {  	s14 =	simm.s32 @p0 $0x1;
	p0 =	sgt.s32 s13, $0x5  }
0x1c: {  	[smem:$0x7EC] =	sst s14;
	s14 =	simm.s32 @!p0 $0x0  }
0x1d: {  	s14 =	simm.s32 @p0 $0x1;
	p0 =	sgt.s32 s13, $0x4  }
0x1e: {  	[smem:$0x7ED] =	sst s14;
	s14 =	simm.s32 @!p0 $0x0  }
0x1f: {  	s14 =	simm.s32 @p0 $0x1;
	p0 =	sgt.s32 s13, $0x3  }
0x20: {  	[smem:$0x7EE] =	sst s14;
	s14 =	simm.s32 @!p0 $0x0  }
0x21: {  	s14 =	simm.s32 @p0 $0x1;
	p0 =	sgt.s32 s13, $0x2  }
0x22: {  	[smem:$0x7EF] =	sst s14;
	s14 =	simm.s32 @!p0 $0x0  }
0x23: {  	s14 =	simm.s32 @p0 $0x1;
	p0 =	sgt.s32 s13, $0x1  }
0x24: {  	[smem:$0x7F0] =	sst s14;
	s14 =	simm.s32 @!p0 $0x0  }
0x25: {  	s14 =	simm.s32 @p0 $0x1;
	p0 =	sgt.s32 s13, $0x0  }
0x26: {  	[smem:$0x7F1] =	sst s14;
	s14 =	simm.s32 @!p0 $0x0  }
0x27: {  	s14 =	simm.s32 @p0 $0x1;
	p0 =	seq.s32 s13, $0xF  }
0x28: {  	[smem:$0x7F2] =	sst s14;
	s14 =	simm.s32 @!p0 $0x0  }
0x29: {  	s14 =	simm.s32 @p0 $0x1;
	p0 =	seq.s32 s13, $0xE  }
0x2a: {  	[smem:$0x7F3] =	sst s14;
	s14 =	simm.s32 @!p0 $0x0  }
0x2b: {  	s14 =	simm.s32 @p0 $0x1;
	p0 =	seq.s32 s13, $0xD  }
0x2c: {  	[smem:$0x7F4] =	sst s14;
	s14 =	simm.s32 @!p0 $0x0  }
0x2d: {  	s10 =	simm.s32 $0x2;
	s14 =	simm.s32 @p0 $0x1;
	p0 =	seq.s32 s13, $0xC  }
0x2e: {  	s11 =	simm.s32 $0x900;
	[smem:$0x7F5] =	sst s14;
	s14 =	simm.s32 @!p0 $0x0  }
0x2f: {  	s12 =	simm.s32 $0x0;
	s14 =	simm.s32 @p0 $0x1;
	p0 =	seq.s32 s13, $0xB  }
0x30: {  	s30 =	ssub.s32 $0x2, s6;
	[smem:$0x7F6] =	sst s14;
	s14 =	simm.s32 @!p0 $0x0  }
0x31: {  	s6 =	sshll.u32 s6, $0xB;
	s14 =	simm.s32 @p0 $0x1;
	p0 =	seq.s32 s13, $0xA  }
0x32: {  	s8 =	sshll.u32 s7, $0x8;
	[smem:$0x7F7] =	sst s14;
	s14 =	simm.s32 @!p0 $0x0  }
0x33: {  	s31 =	sshrl.u32 s30, $0x1;
	s14 =	simm.s32 @p0 $0x1;
	p0 =	seq.s32 s13, $0x9  }
0x34: {  	s29 =	sadd.s32 s8, s5;
	[smem:$0x7F8] =	sst s14;
	s14 =	simm.s32 @!p0 $0x0  }
0x35: {  	s8 =	ssub.s32 s30, s31;
	s14 =	simm.s32 @p0 $0x1;
	p0 =	seq.s32 s13, $0x8  }
0x36: {  	s5 =	simm.s32 $0x1;
	[smem:$0x7F9] =	sst s14;
	s14 =	simm.s32 @!p0 $0x0  }
0x37: {  	s7 =	sadd.s32 $0x400, s29;
	s14 =	simm.s32 @p0 $0x1;
	p0 =	seq.s32 s13, $0x7  }
0x38: {  	s8 =	smax.u32 s8, $0x1;
	[smem:$0x7FA] =	sst s14;
	s14 =	simm.s32 @!p0 $0x0  }
0x39: {  	p5 =	seq.s32 s13, $0x4;
	s14 =	simm.s32 @p0 $0x1;
	p0 =	seq.s32 s13, $0x6  }
.Ltmp0:
0x3a: {  	[smem:$0x7FB] =	sst s14;
	s14 =	simm.s32 @!p0 $0x0;
	(pc) =	sbr.rel .LBB2_1-.Ltmp0, $4  }
0x3b: {  	p6 =	seq.s32 s13, $0x3;
	s14 =	simm.s32 @p0 $0x1;
	p0 =	seq.s32 s13, $0x5  }
0x3c: {  	p1 =	seq.s32 s13, $0x1;
	[smem:$0x7FC] =	sst s14;
	s14 =	simm.s32 @!p0 $0x0  }
0x3d: {  	v0 =	vlaneseq.u32;
	p2 =	seq.s32 s13, $0x0;
	[smem:$0x7EA] =	sst s9;
	s14 =	simm.s32 @p0 $0x1  }
0x3e: {  	v2 =	vimm.f32 $-1.000000000e+00;
	v1 =	vor.u32 s6, v0;
	s9 =	simm.s32 $0x80;
	p0 =	seq.s32 s13, $0x2;
	[smem:$0x7FD] =	sst s14  }
.LBB2_9:
0x3f: {  	s12 =	sadd.s32 $0x1, s12  }
0x40: {  	p3 =	sne.s32 s12, s8  }
.Ltmp1:
0x41: {  	_ = 	snop;
	(pc) =	sbr.rel @!p3 .LBB2_10-.Ltmp1, $4  }
0x42: {  	[hbm4b:s7+s4] =	stream.linear.scatter [tilespmem:s11], [sflag:$0x2], $0x800, $0x38;
	[tilespmem:$0x1100] =	vst v63  }
0x43: {  	_ =	swait.ge [sflag:s10], $0x800  }
0x44: {  	[sflag:s10] =	ssyncset.done $0x0  }
0x45: {  	[sflag:s10] =	ssyncadd.s32 $0xFFFFF800  }
.LBB2_1:
0x46: {  	[tilespmem:s4], [sflag:$0x1] =	stream.linear.gather [hbm4b:s2+s4], $0x80, $0x38;
	[tilespmem:$0x1100] =	vst v63  }
0x47: {  	s13 =	simm.s32 $0x940  }
0x48: {  	[tilespmem:s13+$0xFFFFFFC0] =	vst v2  }
0x49: {  	[tilespmem:s13+$0x30] =	vst v2  }
0x4a: {  	[tilespmem:s13+$0x20] =	vst v2  }
0x4b: {  	[tilespmem:s13+$0x10] =	vst v2  }
0x4c: {  	[tilespmem:s13+$0x0] =	vst v2  }
0x4d: {  	[tilespmem:s13+$0xFFFFFFF0] =	vst v2  }
0x4e: {  	s14 =	simm.s32 $0x0;
	[tilespmem:s13+$0xFFFFFFE0] =	vst v2  }
.LBB2_2:
0x4f: {  	s14 =	sadd.s32 $0x80, s14;
	[tilespmem:s13+$0xFFFFFFD0] =	vst v2;
	s13 =	sadd.s32 $0x80, s13  }
0x50: {  	[tilespmem:s13+$0xFFFFFFC0] =	vst v2;
	p3 =	slt.u32 s14, $0x780  }
0x51: {  	[tilespmem:s13+$0x30] =	vst v2  }
.Ltmp2:
0x52: {  	[tilespmem:s13+$0x20] =	vst v2;
	(pc) =	sbr.rel @p3 .LBB2_2-.Ltmp2, $4  }
0x53: {  	[tilespmem:s13+$0x10] =	vst v2  }
0x54: {  	[tilespmem:s13+$0x0] =	vst v2  }
0x55: {  	[tilespmem:s13+$0xFFFFFFF0] =	vst v2  }
0x56: {  	[tilespmem:s13+$0xFFFFFFE0] =	vst v2  }
0x57: {  	[tilespmem:s13+$0xFFFFFFD0] =	vst v2  }
0x58: {  	_ =	swait.ge [sflag:s5], $0x80  }
0x59: {  	[sflag:s5] =	ssyncset.done $0x0  }
0x5a: {  	[sflag:s5] =	ssyncadd.s32 $0xFFFFFF80  }
0x5b: {  	v3 =	vld [tilespmem:$0x0];
	_ =	sdelay $0x4  }
0x5c: {  	(v2sf) =	vpush v3, $0x0  }
0x5d: {  	(v2sf) =	vpush v3, $0x1  }
0x5e: {  	(v2sf) =	vpush v3, $0x2;
	_ =	sdelay $0x1  }
0x5f: {  	(v2sf) =	vpush v3, $0x3  }
0x60: {  	(v2sf) =	vpush v3, $0x4  }
0x61: {  	(v2sf) =	vpush v3, $0x5;
	_ =	sdelay $0x1  }
0x62: {  	(v2sf) =	vpush v3, $0x6  }
0x63: {  	(v2sf) =	vpush v3, $0x7  }
0x64: {  	(v2sf) =	vpush v3, $0x8  }
0x65: {  	(v2sf) =	vpush v3, $0x9;
	_ =	sdelay $0x1  }
0x66: {  	s30 =	sld [smem:$0x7F1];
	(v2sf) =	vpush v3, $0xA;
	_ =	sdelay $0x1  }
0x67: {  	s31 =	sld [smem:$0x7FD];
	(v2sf) =	vpush v3, $0xB;
	s13 =	spop (v2sf)  }
0x68: {  	p3 =	seq.s32 s30, $0x1;
	s30 =	sld [smem:$0x7F0];
	(v2sf) =	vpush v3, $0xC;
	s14 =	spop (v2sf)  }
0x69: {  	(v2sf) =	vpush v3, $0xD;
	s23 =	smov.u32 s13;
	s15 =	spop (v2sf);
	s24 =	smov.u32 s14  }
0x6a: {  	s23 =	simm.s32 @!p2 $0x0;
	s14 =	simm.s32 @!p3 $0x0;
	p3 =	seq.s32 s31, $0x1  }
0x6b: {  	s31 =	sld [smem:$0x7F2];
	s16 =	spop (v2sf);
	s24 =	simm.s32 @!p1 $0x0  }
0x6c: {  	s25 =	smov.u32 s15;
	s17 =	spop (v2sf);
	s23 =	sadd.s32 s24, s23  }
0x6d: {  	s25 =	simm.s32 @!p0 $0x0;
	s24 =	smov.u32 s16;
	s18 =	spop (v2sf)  }
0x6e: {  	s23 =	sadd.s32 s25, s23;
	s24 =	simm.s32 @!p6 $0x0;
	s25 =	smov.u32 s17  }
0x6f: {  	(v2sf) =	vpush v3, $0xE;
	s19 =	spop (v2sf);
	s23 =	sadd.s32 s24, s23;
	s25 =	simm.s32 @!p5 $0x0  }
0x70: {  	s20 =	spop (v2sf);
	s23 =	sadd.s32 s25, s23;
	s25 =	smov.u32 s18  }
0x71: {  	s14 =	sadd.s32 s6, s14;
	s21 =	spop (v2sf);
	s25 =	simm.s32 @!p3 $0x0  }
0x72: {  	p3 =	seq.s32 s31, $0x1;
	s31 =	sld [smem:$0x7EF];
	s22 =	spop (v2sf)  }
0x73: {  	s13 =	simm.s32 @!p3 $0x0;
	s23 =	sadd.s32 s25, s23;
	p3 =	seq.s32 s30, $0x1  }
0x74: {  	s30 =	sld [smem:$0x7EE];
	s26 =	spop (v2sf);
	s15 =	simm.s32 @!p3 $0x0  }
0x75: {  	s13 =	sadd.s32 s13, s14;
	p3 =	seq.s32 s31, $0x1;
	s31 =	sld [smem:$0x7FC]  }
0x76: {  	s14 =	smov.u32 s19;
	s28 =	spop (v2sf);
	s13 =	sadd.s32 s15, s13  }
0x77: {  	s15 =	smov.u32 s20;
	s29 =	spop (v2sf);
	s16 =	simm.s32 @!p3 $0x0  }
0x78: {  	s24 =	spop (v2sf);
	p3 =	seq.s32 s31, $0x1;
	s31 =	sld [smem:$0x7ED]  }
0x79: {  	s14 =	simm.s32 @!p3 $0x0;
	p3 =	seq.s32 s30, $0x1;
	s30 =	sld [smem:$0x7EC]  }
0x7a: {  	s13 =	sadd.s32 s16, s13;
	s14 =	sadd.s32 s14, s23;
	s23 =	sld [smem:$0x7FB]  }
0x7b: {  	s17 =	simm.s32 @!p3 $0x0;
	p3 =	seq.s32 s31, $0x1;
	s31 =	sld [smem:$0x7EB]  }
0x7c: {  	s13 =	sadd.s32 s17, s13;
	s17 =	sld [smem:$0x7FA];
	s18 =	simm.s32 @!p3 $0x0  }
0x7d: {  	s16 =	smov.u32 s22;
	s13 =	sadd.s32 s18, s13;
	s18 =	sld [smem:$0x7EA]  }
0x7e: {  	s25 =	spop (v2sf);
	p3 =	seq.s32 s23, $0x1;
	s23 =	sld [smem:$0x7E7]  }
0x7f: {  	s15 =	simm.s32 @!p3 $0x0;
	p3 =	seq.s32 s30, $0x1;
	s30 =	sld [smem:$0x7F8]  }
0x80: {  	s19 =	simm.s32 @!p3 $0x0;
	s14 =	sadd.s32 s15, s14;
	p3 =	seq.s32 s31, $0x1  }
0x81: {  	s15 =	smov.u32 s21;
	s31 =	sld [smem:$0x7E6];
	s20 =	simm.s32 @!p3 $0x0  }
0x82: {  	s13 =	sadd.s32 s19, s13;
	p3 =	seq.s32 s17, $0x1;
	s19 =	sld [smem:$0x7E9]  }
0x83: {  	s17 =	smov.u32 s28;
	s15 =	simm.s32 @!p3 $0x0;
	p3 =	seq.s32 s18, $0x1  }
0x84: {  	s13 =	sadd.s32 s20, s13;
	s20 =	sld [smem:$0x7F9];
	s18 =	smov.u32 s24  }
0x85: {  	s21 =	simm.s32 @!p3 $0x0;
	s14 =	sadd.s32 s15, s14;
	s15 =	smov.u32 s26  }
0x86: {  	(v2sf) =	vpush v3, $0xF;
	p3 =	seq.s32 s19, $0x1;
	s13 =	sadd.s32 s21, s13;
	s21 =	sld [smem:$0x7E8]  }
0x87: {  	s22 =	simm.s32 @!p3 $0x0;
	p3 =	seq.s32 s20, $0x1;
	s20 =	sld [smem:$0x7E5]  }
0x88: {  	s16 =	simm.s32 @!p3 $0x0;
	s13 =	sadd.s32 s22, s13;
	s22 =	sld [smem:$0x7E4]  }
0x89: {  	p3 =	seq.s32 s21, $0x1;
	s14 =	sadd.s32 s16, s14;
	s16 =	smov.u32 s29  }
0x8a: {  	s21 =	sld [smem:$0x7F7];
	s26 =	simm.s32 @!p3 $0x0;
	p3 =	seq.s32 s23, $0x1  }
0x8b: {  	s23 =	sld [smem:$0x7F6];
	s28 =	simm.s32 @!p3 $0x0;
	p3 =	seq.s32 s30, $0x1  }
0x8c: {  	s13 =	sadd.s32 s26, s13;
	s26 =	sld [smem:$0x7F5];
	s15 =	simm.s32 @!p3 $0x0  }
0x8d: {  	p3 =	seq.s32 s31, $0x1;
	s13 =	sadd.s32 s28, s13;
	s28 =	sld [smem:$0x7F4]  }
0x8e: {  	s29 =	simm.s32 @!p3 $0x0;
	s14 =	sadd.s32 s15, s14;
	p3 =	seq.s32 s20, $0x1  }
0x8f: {  	s15 =	smov.u32 s25;
	s24 =	simm.s32 @!p3 $0x0;
	p3 =	seq.s32 s21, $0x1  }
0x90: {  	s13 =	sadd.s32 s29, s13;
	s17 =	simm.s32 @!p3 $0x0;
	p3 =	seq.s32 s22, $0x1  }
0x91: {  	s29 =	sld [smem:$0x7F3];
	s25 =	simm.s32 @!p3 $0x0;
	p3 =	seq.s32 s23, $0x1  }
0x92: {  	s13 =	sadd.s32 s24, s13;
	s14 =	sadd.s32 s17, s14;
	s16 =	simm.s32 @!p3 $0x0  }
0x93: {  	s24 =	sadd.s32 s25, s13;
	p3 =	seq.s32 s26, $0x1;
	s25 =	sadd.s32 s16, s14  }
0x94: {  	s16 =	sand.u32 $0xFFFFFFF8, s24;
	s18 =	simm.s32 @!p3 $0x0;
	p3 =	seq.s32 s28, $0x1  }
0x95: {  	s14 =	spop (v2sf);
	s15 =	simm.s32 @!p3 $0x0;
	p3 =	slt.s32 s16, $0x7AD8  }
0x96: {  	s13 =	sadd.s32 s18, s25;
	s16 =	simm.s32 @!p3 $0x7AD8;
	p3 =	seq.s32 s29, $0x1  }
0x97: {  	s13 =	sadd.s32 s15, s13;
	s14 =	simm.s32 @!p3 $0x0  }
0x98: {  	s14 =	sadd.s32 s14, s13  }
0x99: {  	s13 =	ssub.s32 s14, s6  }
0x9a: {  	p3 =	sgt.s32 s13, $0x0  }
0x9b: {  	s13 =	simm.s32 @!p3 $0x0  }
0x9c: {  	s13 =	smin.u32 s13, $0x800  }
0x9d: {  	s15 =	sadd.s32 $0xF, s13  }
0x9e: {  	s13 =	sand.u32 $0x1F80, s15  }
0x9f: {  	s30 =	sshrl.u32 s16, $0x3;
	p3 =	seq.s32 s13, $0x0  }
.Ltmp3:
0xa0: {  	s31 =	sadd.s32 s1, s30;
	(pc) =	sbr.rel @p3 .LBB2_6-.Ltmp3, $4  }
0xa1: {  	[tilespmem:s9], [sflag:$0x2] =	stream.linear.gather [hbm4b:s31+s4], $0x810, $0x38;
	[tilespmem:$0x1100] =	vst v63  }
0xa2: {  	_ =	swait.ge [sflag:s10], $0x810  }
0xa3: {  	s16 =	ssub.s32 s24, s16;
	[sflag:s10] =	ssyncset.done $0x0  }
0xa4: {  	v3 =	vadd.s32 s16, v0;
	[sflag:s10] =	ssyncadd.s32 $0xFFFFF7F0  }
0xa5: {  	s20 =	simm.s32 $0x70  }
0xa6: {  	s21 =	simm.s32 $0x10;
	v5 =	vadd.s32 s20, v3  }
0xa7: {  	s22 =	simm.s32 $0x20;
	v6 =	vadd.s32 s21, v3  }
0xa8: {  	s23 =	simm.s32 $0x30;
	v8 =	vadd.s32 s22, v3  }
0xa9: {  	s24 =	simm.s32 $0x40;
	v10 =	vadd.s32 s23, v3  }
0xaa: {  	p4 =	sgt.u32 s13, $0x80;
	v12 =	vadd.s32 s24, v3  }
.Ltmp4:
0xab: {  	v9 =	vld.idx.msk [tilespmem:v5+s9+$0x0], $0xffff;
	(pc) =	sbr.rel @!p4 .LBB2_5-.Ltmp4, $4  }
0xac: {  	v4 =	vmov s14;
	s19 =	simm.s32 $0x0;
	s17 =	simm.s32 $0x50;
	s18 =	simm.s32 $0x60;
	v7 =	vld.idx.msk [tilespmem:v6+s9+$0x0], $0xffff  }
0xad: {  	v14 =	vadd.s32 s17, v3;
	v13 =	vadd.s32 s18, v3;
	v11 =	vadd.s32 s19, v3;
	v8 =	vld.idx.msk [tilespmem:v8+s9+$0x0], $0xffff  }
0xae: {  	v17 =	vadd.s32 s21, v1;
	v16 =	vadd.s32 s22, v1;
	v15 =	vadd.s32 s23, v1;
	v10 =	vld.idx.msk [tilespmem:v10+s9+$0x0], $0xffff  }
0xaf: {  	s16 =	simm.s32 $0x940;
	p3 =	por $0x0, $0x0;
	v18 =	vadd.s32 s20, v1;
	v5 =	vadd.s32 s19, v1;
	s19 =	simm.s32 $0x80;
	v6 =	vld.idx.msk [tilespmem:v12+s9+$0x0], $0xffff;
	v12 =	vadd.s32 s24, v1  }
0xb0: {  	_ =	sdelay $0x2  }
0xb1: {  	s21 =	simm.s32 $0xF0;
	v19 =	vadd.s32 s17, v1;
	v20 =	vadd.s32 s18, v1;
	vm0 =	vlt.s32 v18, v4  }
0xb2: {  	v18 =	vld.idx.msk [tilespmem:v14+s9+$0x0], $0xffff;
	s20 =	simm.s32 $0x90;
	vm1 =	vlt.s32 v17, v4;
	vm10 =	vlt.s32 v16, v4;
	v21 =	vadd.s32 s21, v3  }
0xb3: {  	v17 =	vld.idx.msk [tilespmem:v13+s9+$0x0], $0xffff;
	s22 =	simm.s32 $0xA0;
	vm11 =	vlt.s32 v15, v4;
	v9 =	vnsel vm0, $0xBF800000, v9;
	v13 =	vadd.s32 s20, v3  }
0xb4: {  	v16 =	vld.idx.msk [tilespmem:v11+s9+$0x0], $0xffff;
	s23 =	simm.s32 $0xB0;
	vm12 =	vlt.s32 v12, v4;
	v7 =	vnsel vm1, $0xBF800000, v7;
	v22 =	vadd.s32 s22, v3;
	[tilespmem:s16+$0x30] =	vst v9  }
0xb5: {  	s24 =	simm.s32 $0xC0;
	vm15 =	vlt.s32 v5, v4;
	v15 =	vadd.s32 s23, v3;
	[tilespmem:s16+$0xFFFFFFD0] =	vst v7;
	v7 =	vnsel vm10, $0xBF800000, v8  }
0xb6: {  	s17 =	simm.s32 $0xD0;
	v11 =	vadd.s32 s19, v3;
	p4 =	sgt.u32 s13, $0x100;
	v12 =	vadd.s32 s24, v3;
	[tilespmem:s16+$0xFFFFFFE0] =	vst v7;
	v7 =	vnsel vm11, $0xBF800000, v10  }
.Ltmp5:
0xb7: {  	s18 =	simm.s32 $0xE0;
	vm13 =	vlt.s32 v19, v4;
	v14 =	vadd.s32 s17, v3;
	[tilespmem:s16+$0xFFFFFFF0] =	vst v7;
	v6 =	vnsel vm12, $0xBF800000, v6;
	v9 =	vld.idx.msk [tilespmem:v21+s9+$0x0], $0xffff;
	(pc) =	sbr.rel @!p4 .LBB2_12-.Ltmp5, $4  }
0xb8: {  	v5 =	vadd.s32 s19, v1;
	[tilespmem:s16+$0x0] =	vst v6;
	v6 =	vnsel vm13, $0xBF800000, v18;
	v7 =	vld.idx.msk [tilespmem:v13+s9+$0x0], $0xffff;
	v13 =	vadd.s32 s18, v3  }
0xb9: {  	vm14 =	vlt.s32 v20, v4;
	v18 =	vnsel vm15, $0xBF800000, v16;
	v16 =	vadd.s32 s22, v1;
	[tilespmem:s16+$0x10] =	vst v6;
	v8 =	vld.idx.msk [tilespmem:v22+s9+$0x0], $0xffff  }
0xba: {  	v6 =	vnsel vm14, $0xBF800000, v17;
	v17 =	vadd.s32 s20, v1;
	v10 =	vld.idx.msk [tilespmem:v15+s9+$0x0], $0xffff;
	[tilespmem:s16+$0xFFFFFFC0] =	vst v18;
	v15 =	vadd.s32 s23, v1  }
0xbb: {  	p3 =	por $0x1, $0x1;
	s19 =	simm.s32 $0x940;
	s20 =	simm.s32 $0x100;
	v18 =	vadd.s32 s21, v1;
	[tilespmem:s16+$0x20] =	vst v6;
	v6 =	vld.idx.msk [tilespmem:v12+s9+$0x0], $0xffff;
	v12 =	vadd.s32 s24, v1  }
.LBB2_13:
0xbc: {  	s21 =	sadd.s32 $0x70, s20;
	v19 =	vld.idx.msk [tilespmem:v14+s9+$0x0], $0xffff;
	v14 =	vadd.s32 s17, v1;
	v20 =	vadd.s32 s18, v1;
	vm0 =	vlt.s32 v18, v4;
	s22 =	smov.u32 s20;
	s20 =	sadd.s32 $0x80, s20  }
0xbd: {  	vm1 =	vlt.s32 v17, v4;
	s19 =	sadd.s32 $0x80, s19;
	s23 =	sadd.s32 $0x10, s22;
	v18 =	vadd.s32 s21, v3;
	p4 =	slt.u32 s20, s13;
	v17 =	vld.idx.msk [tilespmem:v13+s9+$0x0], $0xffff;
	v9 =	vnsel vm0, $0xBF800000, v9  }
0xbe: {  	s24 =	sadd.s32 $0x20, s22;
	v7 =	vnsel vm1, $0xBF800000, v7;
	vm0 =	vlt.s32 v16, v4;
	v13 =	vadd.s32 s23, v3;
	v21 =	vld.idx.msk [tilespmem:v11+s9+$0x0], $0xffff;
	[tilespmem:s19+$0x30] =	vst v9  }
0xbf: {  	s25 =	sadd.s32 $0x30, s22;
	v16 =	vadd.s32 s24, v3;
	[tilespmem:s19+$0xFFFFFFD0] =	vst v7;
	v7 =	vnsel vm0, $0xBF800000, v8;
	vm0 =	vlt.s32 v15, v4  }
0xc0: {  	s26 =	sadd.s32 $0x40, s22;
	v15 =	vadd.s32 s25, v3;
	[tilespmem:s19+$0xFFFFFFE0] =	vst v7;
	v7 =	vnsel vm0, $0xBF800000, v10;
	vm0 =	vlt.s32 v12, v4  }
0xc1: {  	s17 =	sadd.s32 $0x50, s22;
	v12 =	vadd.s32 s26, v3;
	[tilespmem:s19+$0xFFFFFFF0] =	vst v7;
	v6 =	vnsel vm0, $0xBF800000, v6;
	vm0 =	vlt.s32 v14, v4  }
.Ltmp6:
0xc2: {  	s18 =	sadd.s32 $0x60, s22;
	v14 =	vadd.s32 s17, v3;
	v9 =	vld.idx.msk [tilespmem:v18+s9+$0x0], $0xffff;
	[tilespmem:s19+$0x0] =	vst v6;
	v6 =	vnsel vm0, $0xBF800000, v19;
	vm0 =	vlt.s32 v20, v4;
	(pc) =	sbr.rel @p4 .LBB2_13-.Ltmp6, $4  }
0xc3: {  	vm1 =	vlt.s32 v5, v4;
	v7 =	vld.idx.msk [tilespmem:v13+s9+$0x0], $0xffff;
	v13 =	vadd.s32 s18, v3;
	[tilespmem:s19+$0x10] =	vst v6;
	v6 =	vnsel vm0, $0xBF800000, v17  }
0xc4: {  	v5 =	vadd.s32 s22, v1;
	v11 =	vadd.s32 s22, v3;
	v18 =	vnsel vm1, $0xBF800000, v21;
	v8 =	vld.idx.msk [tilespmem:v16+s9+$0x0], $0xffff;
	[tilespmem:s19+$0x20] =	vst v6  }
0xc5: {  	v17 =	vadd.s32 s23, v1;
	v16 =	vadd.s32 s24, v1;
	v10 =	vld.idx.msk [tilespmem:v15+s9+$0x0], $0xffff;
	[tilespmem:s19+$0xFFFFFFC0] =	vst v18  }
0xc6: {  	v15 =	vadd.s32 s25, v1;
	v18 =	vadd.s32 s21, v1;
	v6 =	vld.idx.msk [tilespmem:v12+s9+$0x0], $0xffff;
	v12 =	vadd.s32 s26, v1  }
.LBB2_14:
0xc7: {  	_ =	sdelay $0x2  }
0xc8: {  	vm0 =	vlt.s32 v18, v4;
	s19 =	sadd.s32 @p3 $0x80, s19  }
0xc9: {  	v14 =	vld.idx.msk [tilespmem:v14+s9+$0x0], $0xffff;
	vm1 =	vlt.s32 v17, v4;
	v9 =	vnsel vm0, $0xBF800000, v9;
	s16 =	smov.u32 @p3 s19  }
0xca: {  	v13 =	vld.idx.msk [tilespmem:v13+s9+$0x0], $0xffff;
	vm10 =	vlt.s32 v16, v4;
	v7 =	vnsel vm1, $0xBF800000, v7;
	[tilespmem:s16+$0x30] =	vst v9  }
0xcb: {  	v58 =	vld.idx.msk [tilespmem:v11+s9+$0x0], $0xffff;
	vm11 =	vlt.s32 v15, v4;
	[tilespmem:s16+$0xFFFFFFD0] =	vst v7;
	v59 =	vnsel vm10, $0xBF800000, v8  }
0xcc: {  	v60 =	vadd.s32 s17, v1;
	vm12 =	vlt.s32 v12, v4;
	[tilespmem:s16+$0xFFFFFFE0] =	vst v59;
	v61 =	vnsel vm11, $0xBF800000, v10  }
0xcd: {  	v62 =	vadd.s32 s18, v1;
	vm13 =	vlt.s32 v60, v4;
	[tilespmem:s16+$0xFFFFFFF0] =	vst v61;
	v6 =	vnsel vm12, $0xBF800000, v6  }
0xce: {  	vm14 =	vlt.s32 v62, v4;
	[tilespmem:s16+$0x0] =	vst v6;
	v63 =	vnsel vm13, $0xBF800000, v14  }
0xcf: {  	vm15 =	vlt.s32 v5, v4;
	v4 =	vnsel vm14, $0xBF800000, v13;
	[tilespmem:s16+$0x10] =	vst v63  }
0xd0: {  	v5 =	vnsel vm15, $0xBF800000, v58;
	[tilespmem:s16+$0x20] =	vst v4  }
0xd1: {  	[tilespmem:s16+$0xFFFFFFC0] =	vst v5  }
.LBB2_6:
0xd2: {  	s16 =	sand.u32 $0x1FF0, s15  }
0xd3: {  	p3 =	sge.u32 s13, s16  }
.Ltmp7:
0xd4: {  	_ = 	snop;
	(pc) =	sbr.rel @p3 .LBB2_9-.Ltmp7, $1  }
0xd5: {  	_ =	sdelay $0x3  }
0xd6: {  	s15 =	sand.u32 $0x1F80, s15  }
0xd7: {  	v4 =	vmov s14;
	s14 =	sadd.s32 $0x900, s15  }
.LBB2_8:
0xd8: {  	v5 =	vadd.s32 s13, v3;
	_ =	sdelay $0x4  }
0xd9: {  	v6 =	vadd.s32 s13, v1;
	s13 =	sadd.s32 $0x10, s13;
	v5 =	vld.idx.msk [tilespmem:v5+s9+$0x0], $0xffff  }
0xda: {  	p3 =	slt.u32 s13, s16  }
.Ltmp8:
0xdb: {  	_ = 	snop;
	(pc) =	sbr.rel @p3 .LBB2_8-.Ltmp8, $4  }
0xdc: {  	_ = 	snop  }
0xdd: {  	vm0 =	vlt.s32 v6, v4  }
0xde: {  	v5 =	vnsel vm0, $0xBF800000, v5  }
0xdf: {  	[tilespmem:s14+$0x0] =	vst v5;
	s14 =	sadd.s32 $0x10, s14  }
.Ltmp9:
0xe0: {  	_ = 	snop;
	(pc) =	sbr.rel .LBB2_9-.Ltmp9, $1  }
0xe1: {  	_ =	sdelay $0x3  }
.LBB2_5:
.Ltmp10:
0xe2: {  	(pc) =	sbr.rel .LBB2_14-.Ltmp10, $2  }
0xe3: {  	_ =	sdelay $0x2  }
0xe4: {  	s19 =	simm.s32 $0x940  }
.LBB2_12:
.Ltmp11:
0xe5: {  	(pc) =	sbr.rel .LBB2_14-.Ltmp11, $2  }
0xe6: {  	_ =	sdelay $0x2  }
0xe7: {  	s19 =	simm.s32 $0x940  }
.LBB2_10:
0xe8: {  	_ =	sfence.sel $0x180000  }
0xe9: {  	[bflag:$0x0] =	sbarrier.arrive $0xFFFF  }
0xea: {  	p0 =	sne.s32 s3, $0x0;
	_ =	strace $0x90000047  }
0xeb: {  	s0 =	sadd.s32 @!p0 $0x100000, s0;
	[bflag:$0x2] =	sbarrier.arrive $0xFFFF  }
0xec: {  	[sflag:s0] =	ssyncadd.tile.s32 @!p0 $0x1;
	_ =	shalt  }
.Lfunc_end2:
_tile_overlayer_lowered:
.L_overlay_start_2:
0xed: {  	(tag) =	ssettag $0x2  }
0xee: {  	s0 =	rddreg [dreg:$0x0];
	s2 =	stileid.u32  }
0xef: {  	s1 =	rddreg [dreg:$0x1];
	p0 =	sne.s32 s2, $0x0  }
0xf0: {  	s3 =	rddreg [dreg:$0x2];
	[bflag:$0x3] =	sbarrier.arrive $0xFFFF;
	s2 =	simm.s32 @!p0 $0x1C02  }
0xf1: {  	[timem:s3], [sflag:s2] =	dma.local @!p0 [hbm:s0], s1  }
0xf2: {  	s0 =	simm.s32 @!p0 $0x2  }
0xf3: {  	_ =	swait.ge @!p0 [sflag:s0], s1  }
0xf4: {  	s1 =	ssub.s32 @!p0 $0x0, s1;
	[sflag:s0] =	ssyncset.done @!p0 $0x0  }
0xf5: {  	[sflag:s0] =	ssyncadd.s32 @!p0 s1  }
0xf6: {  	[bflag:$0x3] =	sbarrier.arrive $0xFFFF  }
0xf7: {  	_ =	shalt  }

</sc_bundles>
